<compile_context>
chip_gen: v7x
topology: tpu7x:2x2x1
jax: 0.10.2.dev20260603
libtpu: 0.0.44.dev20260713+nightly
codegen_flags: <defaults>
</compile_context>

<pallas_src>
import functools

import jax
import jax.numpy as jnp
from jax import lax
from jax.experimental import pallas as pl
from jax.experimental.pallas import tpu as pltpu
from jax.experimental.pallas import tpu_sc as plsc

_B = 16384
_K = 50
_D = 32
_KP = 64
_BKP = _B * _KP
_NTILES = 32
_PAIRS_PER_TILE = _BKP // _NTILES
_ROWS_PER_TILE = _B // _NTILES
_W = 128
_NW = _PAIRS_PER_TILE // _W
_NG = _W // 16


def _tc_mlp(player_state, W1, b1, W2, b2, temperature):

    def body(ps_ref, w1_ref, b1_ref, w2_ref, b2_ref, t_ref, o_ref):
        h = jnp.maximum(
            jnp.dot(ps_ref[...], w1_ref[...].T,
                    preferred_element_type=jnp.float32) + b1_ref[...],
            0.0,
        )
        pe = jnp.dot(h, w2_ref[...].T,
                     preferred_element_type=jnp.float32) + b2_ref[...]
        o_ref[...] = pe / t_ref[0]

    return pl.pallas_call(
        body,
        in_specs=[
            pl.BlockSpec((_B, 10), lambda: (0, 0)),
            pl.BlockSpec((32, 10), lambda: (0, 0)),
            pl.BlockSpec((1, 32), lambda: (0, 0)),
            pl.BlockSpec((_D, 32), lambda: (0, 0)),
            pl.BlockSpec((1, _D), lambda: (0, 0)),
            pl.BlockSpec(memory_space=pltpu.SMEM),
        ],
        out_specs=pl.BlockSpec((_B, _D), lambda: (0, 0)),
        out_shape=jax.ShapeDtypeStruct((_B, _D), jnp.float32),
    )(player_state, W1, b1.reshape(1, 32), W2, b2.reshape(1, _D),
      temperature.reshape(1))


def _sc_fused_score(emb_table, flat_ids, pe):
    mesh = plsc.VectorSubcoreMesh(core_axis_name="c", subcore_axis_name="s")

    @functools.partial(
        pl.kernel,
        out_type=jax.ShapeDtypeStruct((_BKP,), jnp.float32),
        mesh=mesh,
        compiler_params=pltpu.CompilerParams(
            use_tc_tiling_on_sc=False, needs_layout_passes=False),
        scratch_types=[
            pltpu.VMEM((_ROWS_PER_TILE * _D,), jnp.float32),
            pltpu.VMEM((_PAIRS_PER_TILE,), jnp.int32),
            pltpu.VMEM((_W, _D), jnp.float32),
            pltpu.VMEM((_W, _D), jnp.float32),
            pltpu.VMEM((_W, _D), jnp.float32),
            pltpu.VMEM((_W, _D), jnp.float32),
            pltpu.VMEM((_PAIRS_PER_TILE,), jnp.float32),
            pltpu.SemaphoreType.DMA,
            pltpu.SemaphoreType.DMA,
            pltpu.SemaphoreType.DMA,
            pltpu.SemaphoreType.DMA,
        ],
    )
    def fused_kernel(tab_hbm, ids_hbm, pe_hbm, out_hbm,
                     pe_v, ids_v, tab0, tab1, tab2, tab3, sc_v,
                     tsem0, tsem1, tsem2, tsem3):
        tabs = (tab0, tab1, tab2, tab3)
        tsems = (tsem0, tsem1, tsem2, tsem3)
        _NBUF = 4

        cid = lax.axis_index("c")
        sid = lax.axis_index("s")
        wid = sid * 2 + cid
        pair_base = wid * _PAIRS_PER_TILE
        row_base = wid * _ROWS_PER_TILE

        def gather_dma(w, buf):
            off = jnp.minimum(w * _W, _PAIRS_PER_TILE - _W)
            return pltpu.make_async_copy(
                tab_hbm.at[ids_v.at[pl.ds(off, _W)]], tabs[buf], tsems[buf])

        pltpu.sync_copy(pe_hbm.at[pl.ds(row_base * _D, _ROWS_PER_TILE * _D)],
                        pe_v)
        pltpu.sync_copy(ids_hbm.at[pl.ds(pair_base, _PAIRS_PER_TILE)], ids_v)
        for j in range(_NBUF):
            gather_dma(j, j).start()

        def window(w, cur):
            gather_dma(w, cur).wait()
            tab = tabs[cur]
            if True:
                sc_v[pl.ds(w * _W, 16)] = tab[0, pl.ds(0, 16)]
                gather_dma(w + _NBUF, cur).start()
                return
            rows = [lax.iota(jnp.int32, 16) + g * 16 for g in range(_NG)]
            pe0 = (pe_v[pl.ds(2 * w * _D, 16)], pe_v[pl.ds(2 * w * _D + 16, 16)])
            pe1 = (pe_v[pl.ds((2 * w + 1) * _D, 16)],
                   pe_v[pl.ds((2 * w + 1) * _D + 16, 16)])
            one = jnp.full((16,), 1, jnp.int32)
            for half, pe_h in ((0, pe0), (1, pe1)):
                accs = [jnp.zeros((16,), jnp.float32) for _ in range(4)]
                col = jnp.zeros((16,), jnp.int32)
                for d in range(_D):
                    s = pe_h[d // 16][d % 16]
                    for i in range(4):
                        tcol = plsc.load_gather(tab, [rows[half * 4 + i], col])
                        accs[i] = accs[i] + tcol * s
                    col = col + one
                for i in range(4):
                    sc_v[pl.ds(w * _W + (half * 4 + i) * 16, 16)] = accs[i]
            gather_dma(w + _NBUF, cur).start()

        @pl.loop(0, _NW, step=_NBUF)
        def _(w):
            for j in range(_NBUF):
                window(w + j, j)

        for j in range(_NBUF):
            gather_dma(0, j).wait()

        pltpu.sync_copy(sc_v, out_hbm.at[pl.ds(pair_base, _PAIRS_PER_TILE)])

    return fused_kernel(emb_table, flat_ids, pe)


def kernel(player_state, item_ids, W1, b1, W2, b2, emb_table, temperature):
    pe = _tc_mlp(player_state, W1, b1, W2, b2, temperature)
    ids_p = jnp.pad(item_ids.astype(jnp.int32), ((0, 0), (0, _KP - _K)))
    scores = _sc_fused_score(emb_table, ids_p.reshape(_BKP), pe.reshape(_B * _D))
    return scores.reshape(_B, _KP)[:, :_K]

# --- scband reference (transcript-rebuilt; emitter-appended) ---
"""Pipeline reference for scband-content-embedding-model-373 (READ-ONLY COPY).

The authoritative reference and input builder live on the scoring server;
editing this copy changes nothing except your own understanding.
"""

import jax, jax.numpy as jnp
import numpy as np

NUM_ITEMS = 1000000
EMBED_DIM = 32
BATCH = 16384
K = 50

def setup_inputs(seed: int = 0) -> dict:
    key = jax.random.key(seed)
    k1, k2, k3, k4, k5 = jax.random.split(key, 5)
    player_state = jax.random.normal(k1, (BATCH, 10), dtype=jnp.float32)
    item_ids = jax.random.randint(k2, (BATCH, K), 0, NUM_ITEMS, dtype=jnp.int64 if jax.config.read('jax_enable_x64') else jnp.int32)
    # player_encoder params (xavier uniform for weights, zeros for bias)
    limit1 = float(np.sqrt(6.0 / (10 + 32)))
    W1 = jax.random.uniform(k3, (32, 10), dtype=jnp.float32, minval=-limit1, maxval=limit1)
    b1 = jnp.zeros((32,), dtype=jnp.float32)
    limit2 = float(np.sqrt(6.0 / (32 + EMBED_DIM)))
    W2 = jax.random.uniform(k4, (EMBED_DIM, 32), dtype=jnp.float32, minval=-limit2, maxval=limit2)
    b2 = jnp.zeros((EMBED_DIM,), dtype=jnp.float32)
    emb_table = jax.random.normal(k5, (NUM_ITEMS, EMBED_DIM), dtype=jnp.float32) * 0.1
    temperature = jnp.array(1.0, dtype=jnp.float32)
    return {"player_state": player_state, "item_ids": item_ids, "W1": W1, "b1": b1, "W2": W2, "b2": b2, "emb_table": emb_table, "temperature": temperature}


def reference(player_state, item_ids, W1, b1, W2, b2, emb_table, temperature):
    # player_encoder: Linear(10,32) -> ReLU -> Linear(32, embed_dim)
    h = jnp.maximum(player_state @ W1.T + b1, 0.0)
    player_embed = h @ W2.T + b2  # (B, D)
    # embedding lookup: gather rows from the (vocab, D) table
    item_embed = jnp.take(emb_table, item_ids, axis=0)  # (B, K, D)
    scores = jnp.sum(player_embed[:, None, :] * item_embed, axis=-1)  # (B, K)
    return scores / temperature

if __name__ == "__main__":
    import jax
    _d = setup_inputs()
    print(jax.jit(kernel)(*tuple(_d.values())))

</pallas_src>

<mosaic_0001>
#map = affine_map<(d0, d1) -> (0, 0)>
#map1 = affine_map<(d0, d1) -> (0)>
module attributes {stable_mosaic.version = 14 : i64} {
  func.func @fused_kernel(%arg0: i32, %arg1: i32, %arg2: memref<1000000x32xf32, #tpu.memory_space<hbm>>, %arg3: memref<1048576xi32, #tpu.memory_space<hbm>>, %arg4: memref<524288xf32, #tpu.memory_space<hbm>>, %arg5: memref<1048576xf32, #tpu.memory_space<hbm>>, %arg6: memref<16384xf32, #tpu.memory_space<vmem>>, %arg7: memref<32768xi32, #tpu.memory_space<vmem>>, %arg8: memref<128x32xf32, #tpu.memory_space<vmem>>, %arg9: memref<128x32xf32, #tpu.memory_space<vmem>>, %arg10: memref<128x32xf32, #tpu.memory_space<vmem>>, %arg11: memref<128x32xf32, #tpu.memory_space<vmem>>, %arg12: memref<32768xf32, #tpu.memory_space<vmem>>, %arg13: memref<!tpu.dma_semaphore, #tpu.memory_space<semaphore_mem>>, %arg14: memref<!tpu.dma_semaphore, #tpu.memory_space<semaphore_mem>>, %arg15: memref<!tpu.dma_semaphore, #tpu.memory_space<semaphore_mem>>, %arg16: memref<!tpu.dma_semaphore, #tpu.memory_space<semaphore_mem>>) attributes {dimension_semantics = [#tpu.dimension_semantics<core_parallel>, #tpu.dimension_semantics<subcore_parallel>], iteration_bounds = array<i64: 2, 16>, scalar_prefetch = 0 : i64, scratch_operands = 11 : i64, tpu.core_type = #tpu.core_type<sc_vector_subcore>, window_params = [{transform_indices = #map}, {transform_indices = #map1}, {transform_indices = #map1}, {transform_indices = #map1}]} {
    %mul3A = arith.constant 2 : i32
    %mul3A_0 = arith.muli %arg1, %mul3A : i32
    %add3A = arith.addi %mul3A_0, %arg0 : i32
    %mul3A_1 = arith.constant 32768 : i32
    %mul3A_2 = arith.muli %add3A, %mul3A_1 : i32
    %mul3A_3 = arith.constant 512 : i32
    %mul3A_4 = arith.muli %add3A, %mul3A_3 : i32
    %mul3A_5 = arith.constant 32 : i32
    %mul3A_6 = arith.muli %mul3A_4, %mul3A_5 : i32
    "tpu.region"() ({
      %run_scoped3A = tpu.sem_alloc : memref<!tpu.dma_semaphore, #tpu.memory_space<semaphore_mem>>
      %dma_start3A_64 = tpu.memref_slice %arg4[%mul3A_6] : memref<524288xf32, #tpu.memory_space<hbm>> -> memref<16384xf32, #tpu.memory_space<hbm>>
      %dma_start3A_65 = tpu.memref_slice %arg4[%mul3A_6] : memref<524288xf32, #tpu.memory_space<hbm>> -> memref<16384xf32, #tpu.memory_space<hbm>>
      tpu.enqueue_dma source(%dma_start3A_65 : memref<16384xf32, #tpu.memory_space<hbm>>) target(%arg6 : memref<16384xf32, #tpu.memory_space<vmem>>) target_semaphore(%run_scoped3A : memref<!tpu.dma_semaphore, #tpu.memory_space<semaphore_mem>>)
      %dma_wait3A_66 = tpu.memref_slice %arg4[%mul3A_6] : memref<524288xf32, #tpu.memory_space<hbm>> -> memref<16384xf32, #tpu.memory_space<hbm>>
      %dma_wait3A_67 = tpu.memref_slice %arg4[%mul3A_6] : memref<524288xf32, #tpu.memory_space<hbm>> -> memref<16384xf32, #tpu.memory_space<hbm>>
      tpu.wait_dma2 semaphore(%run_scoped3A : memref<!tpu.dma_semaphore, #tpu.memory_space<semaphore_mem>>) src(%dma_wait3A_67 : memref<16384xf32, #tpu.memory_space<hbm>>) dst(%arg6 : memref<16384xf32, #tpu.memory_space<vmem>>)
      tpu.yield
    }) : () -> ()
    "tpu.region"() ({
      %run_scoped3A = tpu.sem_alloc : memref<!tpu.dma_semaphore, #tpu.memory_space<semaphore_mem>>
      %dma_start3A_64 = tpu.memref_slice %arg3[%mul3A_2] : memref<1048576xi32, #tpu.memory_space<hbm>> -> memref<32768xi32, #tpu.memory_space<hbm>>
      %dma_start3A_65 = tpu.memref_slice %arg3[%mul3A_2] : memref<1048576xi32, #tpu.memory_space<hbm>> -> memref<32768xi32, #tpu.memory_space<hbm>>
      tpu.enqueue_dma source(%dma_start3A_65 : memref<32768xi32, #tpu.memory_space<hbm>>) target(%arg7 : memref<32768xi32, #tpu.memory_space<vmem>>) target_semaphore(%run_scoped3A : memref<!tpu.dma_semaphore, #tpu.memory_space<semaphore_mem>>)
      %dma_wait3A_66 = tpu.memref_slice %arg3[%mul3A_2] : memref<1048576xi32, #tpu.memory_space<hbm>> -> memref<32768xi32, #tpu.memory_space<hbm>>
      %dma_wait3A_67 = tpu.memref_slice %arg3[%mul3A_2] : memref<1048576xi32, #tpu.memory_space<hbm>> -> memref<32768xi32, #tpu.memory_space<hbm>>
      tpu.wait_dma2 semaphore(%run_scoped3A : memref<!tpu.dma_semaphore, #tpu.memory_space<semaphore_mem>>) src(%dma_wait3A_67 : memref<32768xi32, #tpu.memory_space<hbm>>) dst(%arg7 : memref<32768xi32, #tpu.memory_space<vmem>>)
      tpu.yield
    }) : () -> ()
    %min3A = arith.constant 0 : i32
    %min3A_7 = arith.constant 32640 : i32
    %min3A_8 = arith.minsi %min3A, %min3A_7 : i32
    %dma_start3A = tpu.memref_slice %arg7[%min3A_8] : memref<32768xi32, #tpu.memory_space<vmem>> -> memref<128xi32, #tpu.memory_space<vmem>>
    %dma_start3A_9 = arith.constant 0 : i32
    %dma_start3A_10 = arith.constant 0 : i32
    %dma_start3A_11 = tpu.memref_slice %arg2[%dma_start3A_9, %dma_start3A_10] : memref<1000000x32xf32, #tpu.memory_space<hbm>> -> memref<1000000x32xf32, #tpu.memory_space<hbm>>
    tpu.enqueue_indirect_dma source(%dma_start3A_11 : memref<1000000x32xf32, #tpu.memory_space<hbm>>) target(%arg8 : memref<128x32xf32, #tpu.memory_space<vmem>>) offsets(%dma_start3A : memref<128xi32, #tpu.memory_space<vmem>>) semaphore(%arg13 : memref<!tpu.dma_semaphore, #tpu.memory_space<semaphore_mem>>)
    %min3A_12 = arith.constant 128 : i32
    %min3A_13 = arith.constant 32640 : i32
    %min3A_14 = arith.minsi %min3A_12, %min3A_13 : i32
    %dma_start3A_15 = tpu.memref_slice %arg7[%min3A_14] : memref<32768xi32, #tpu.memory_space<vmem>> -> memref<128xi32, #tpu.memory_space<vmem>>
    %dma_start3A_16 = arith.constant 0 : i32
    %dma_start3A_17 = arith.constant 0 : i32
    %dma_start3A_18 = tpu.memref_slice %arg2[%dma_start3A_16, %dma_start3A_17] : memref<1000000x32xf32, #tpu.memory_space<hbm>> -> memref<1000000x32xf32, #tpu.memory_space<hbm>>
    tpu.enqueue_indirect_dma source(%dma_start3A_18 : memref<1000000x32xf32, #tpu.memory_space<hbm>>) target(%arg9 : memref<128x32xf32, #tpu.memory_space<vmem>>) offsets(%dma_start3A_15 : memref<128xi32, #tpu.memory_space<vmem>>) semaphore(%arg14 : memref<!tpu.dma_semaphore, #tpu.memory_space<semaphore_mem>>)
    %min3A_19 = arith.constant 256 : i32
    %min3A_20 = arith.constant 32640 : i32
    %min3A_21 = arith.minsi %min3A_19, %min3A_20 : i32
    %dma_start3A_22 = tpu.memref_slice %arg7[%min3A_21] : memref<32768xi32, #tpu.memory_space<vmem>> -> memref<128xi32, #tpu.memory_space<vmem>>
    %dma_start3A_23 = arith.constant 0 : i32
    %dma_start3A_24 = arith.constant 0 : i32
    %dma_start3A_25 = tpu.memref_slice %arg2[%dma_start3A_23, %dma_start3A_24] : memref<1000000x32xf32, #tpu.memory_space<hbm>> -> memref<1000000x32xf32, #tpu.memory_space<hbm>>
    tpu.enqueue_indirect_dma source(%dma_start3A_25 : memref<1000000x32xf32, #tpu.memory_space<hbm>>) target(%arg10 : memref<128x32xf32, #tpu.memory_space<vmem>>) offsets(%dma_start3A_22 : memref<128xi32, #tpu.memory_space<vmem>>) semaphore(%arg15 : memref<!tpu.dma_semaphore, #tpu.memory_space<semaphore_mem>>)
    %min3A_26 = arith.constant 384 : i32
    %min3A_27 = arith.constant 32640 : i32
    %min3A_28 = arith.minsi %min3A_26, %min3A_27 : i32
    %dma_start3A_29 = tpu.memref_slice %arg7[%min3A_28] : memref<32768xi32, #tpu.memory_space<vmem>> -> memref<128xi32, #tpu.memory_space<vmem>>
    %dma_start3A_30 = arith.constant 0 : i32
    %dma_start3A_31 = arith.constant 0 : i32
    %dma_start3A_32 = tpu.memref_slice %arg2[%dma_start3A_30, %dma_start3A_31] : memref<1000000x32xf32, #tpu.memory_space<hbm>> -> memref<1000000x32xf32, #tpu.memory_space<hbm>>
    tpu.enqueue_indirect_dma source(%dma_start3A_32 : memref<1000000x32xf32, #tpu.memory_space<hbm>>) target(%arg11 : memref<128x32xf32, #tpu.memory_space<vmem>>) offsets(%dma_start3A_29 : memref<128xi32, #tpu.memory_space<vmem>>) semaphore(%arg16 : memref<!tpu.dma_semaphore, #tpu.memory_space<semaphore_mem>>)
    %scan3A = arith.constant 0 : i32
    %scan3A_33 = arith.constant 64 : i32
    %scan3A_34 = arith.addi %scan3A, %scan3A_33 : i32
    %scan3A_35 = arith.constant 1 : i32
    scf.for %scan3A_64 = %scan3A to %scan3A_34 step %scan3A_35  : i32 {
      %mul3A_65 = arith.constant 4 : i32
      %mul3A_66 = arith.muli %scan3A_64, %mul3A_65 : i32
      %add3A_67 = arith.constant 0 : i32
      %add3A_68 = arith.addi %add3A_67, %mul3A_66 : i32
      %add3A_69 = arith.constant 0 : i32
      %add3A_70 = arith.addi %add3A_68, %add3A_69 : i32
      %mul3A_71 = arith.constant 128 : i32
      %mul3A_72 = arith.muli %add3A_70, %mul3A_71 : i32
      %min3A_73 = arith.constant 32640 : i32
      %min3A_74 = arith.minsi %mul3A_72, %min3A_73 : i32
      %dma_wait3A_75 = tpu.memref_slice %arg7[%min3A_74] : memref<32768xi32, #tpu.memory_space<vmem>> -> memref<128xi32, #tpu.memory_space<vmem>>
      %dma_wait3A_76 = arith.constant 0 : i32
      %dma_wait3A_77 = arith.constant 0 : i32
      %dma_wait3A_78 = tpu.memref_slice %arg2[%dma_wait3A_76, %dma_wait3A_77] : memref<1000000x32xf32, #tpu.memory_space<hbm>> -> memref<1000000x32xf32, #tpu.memory_space<hbm>>
      tpu.wait_indirect_dma semaphore(%arg13 : memref<!tpu.dma_semaphore, #tpu.memory_space<semaphore_mem>>) src(%dma_wait3A_78 : memref<1000000x32xf32, #tpu.memory_space<hbm>>) dst(%arg8 : memref<128x32xf32, #tpu.memory_space<vmem>>)
      %get3A = arith.constant 0 : i32
      %get3A_79 = arith.index_cast %get3A : i32 to index
      %get3A_80 = arith.constant 0 : index
      %get3A_81 = tpu.vector_load %arg8[%get3A_79, %get3A_80] {strides = array<i32>} : memref<128x32xf32, #tpu.memory_space<vmem>>, vector<16xf32>,
      %mul3A_82 = arith.constant 128 : i32
      %mul3A_83 = arith.muli %add3A_70, %mul3A_82 : i32
      %swap3A = arith.index_cast %mul3A_83 : i32 to index
      %swap3A_84 = tpu.vector_load %arg12[%swap3A] {strides = array<i32>} : memref<32768xf32, #tpu.memory_space<vmem>>, vector<16xf32>,
      tpu.vector_store %arg12[%swap3A], %get3A_81 {strides = array<i32>} : memref<32768xf32, #tpu.memory_space<vmem>>, vector<16xf32>,
      %add3A_85 = arith.constant 4 : i32
      %add3A_86 = arith.addi %add3A_70, %add3A_85 : i32
      %mul3A_87 = arith.constant 128 : i32
      %mul3A_88 = arith.muli %add3A_86, %mul3A_87 : i32
      %min3A_89 = arith.constant 32640 : i32
      %min3A_90 = arith.minsi %mul3A_88, %min3A_89 : i32
      %dma_start3A_91 = tpu.memref_slice %arg7[%min3A_90] : memref<32768xi32, #tpu.memory_space<vmem>> -> memref<128xi32, #tpu.memory_space<vmem>>
      %dma_start3A_92 = arith.constant 0 : i32
      %dma_start3A_93 = arith.constant 0 : i32
      %dma_start3A_94 = tpu.memref_slice %arg2[%dma_start3A_92, %dma_start3A_93] : memref<1000000x32xf32, #tpu.memory_space<hbm>> -> memref<1000000x32xf32, #tpu.memory_space<hbm>>
      tpu.enqueue_indirect_dma source(%dma_start3A_94 : memref<1000000x32xf32, #tpu.memory_space<hbm>>) target(%arg8 : memref<128x32xf32, #tpu.memory_space<vmem>>) offsets(%dma_start3A_91 : memref<128xi32, #tpu.memory_space<vmem>>) semaphore(%arg13 : memref<!tpu.dma_semaphore, #tpu.memory_space<semaphore_mem>>)
      %add3A_95 = arith.constant 1 : i32
      %add3A_96 = arith.addi %add3A_68, %add3A_95 : i32
      %mul3A_97 = arith.constant 128 : i32
      %mul3A_98 = arith.muli %add3A_96, %mul3A_97 : i32
      %min3A_99 = arith.constant 32640 : i32
      %min3A_100 = arith.minsi %mul3A_98, %min3A_99 : i32
      %dma_wait3A_101 = tpu.memref_slice %arg7[%min3A_100] : memref<32768xi32, #tpu.memory_space<vmem>> -> memref<128xi32, #tpu.memory_space<vmem>>
      %dma_wait3A_102 = arith.constant 0 : i32
      %dma_wait3A_103 = arith.constant 0 : i32
      %dma_wait3A_104 = tpu.memref_slice %arg2[%dma_wait3A_102, %dma_wait3A_103] : memref<1000000x32xf32, #tpu.memory_space<hbm>> -> memref<1000000x32xf32, #tpu.memory_space<hbm>>
      tpu.wait_indirect_dma semaphore(%arg14 : memref<!tpu.dma_semaphore, #tpu.memory_space<semaphore_mem>>) src(%dma_wait3A_104 : memref<1000000x32xf32, #tpu.memory_space<hbm>>) dst(%arg9 : memref<128x32xf32, #tpu.memory_space<vmem>>)
      %get3A_105 = arith.constant 0 : i32
      %get3A_106 = arith.index_cast %get3A_105 : i32 to index
      %get3A_107 = arith.constant 0 : index
      %get3A_108 = tpu.vector_load %arg9[%get3A_106, %get3A_107] {strides = array<i32>} : memref<128x32xf32, #tpu.memory_space<vmem>>, vector<16xf32>,
      %mul3A_109 = arith.constant 128 : i32
      %mul3A_110 = arith.muli %add3A_96, %mul3A_109 : i32
      %swap3A_111 = arith.index_cast %mul3A_110 : i32 to index
      %swap3A_112 = tpu.vector_load %arg12[%swap3A_111] {strides = array<i32>} : memref<32768xf32, #tpu.memory_space<vmem>>, vector<16xf32>,
      tpu.vector_store %arg12[%swap3A_111], %get3A_108 {strides = array<i32>} : memref<32768xf32, #tpu.memory_space<vmem>>, vector<16xf32>,
      %add3A_113 = arith.constant 4 : i32
      %add3A_114 = arith.addi %add3A_96, %add3A_113 : i32
      %mul3A_115 = arith.constant 128 : i32
      %mul3A_116 = arith.muli %add3A_114, %mul3A_115 : i32
      %min3A_117 = arith.constant 32640 : i32
      %min3A_118 = arith.minsi %mul3A_116, %min3A_117 : i32
      %dma_start3A_119 = tpu.memref_slice %arg7[%min3A_118] : memref<32768xi32, #tpu.memory_space<vmem>> -> memref<128xi32, #tpu.memory_space<vmem>>
      %dma_start3A_120 = arith.constant 0 : i32
      %dma_start3A_121 = arith.constant 0 : i32
      %dma_start3A_122 = tpu.memref_slice %arg2[%dma_start3A_120, %dma_start3A_121] : memref<1000000x32xf32, #tpu.memory_space<hbm>> -> memref<1000000x32xf32, #tpu.memory_space<hbm>>
      tpu.enqueue_indirect_dma source(%dma_start3A_122 : memref<1000000x32xf32, #tpu.memory_space<hbm>>) target(%arg9 : memref<128x32xf32, #tpu.memory_space<vmem>>) offsets(%dma_start3A_119 : memref<128xi32, #tpu.memory_space<vmem>>) semaphore(%arg14 : memref<!tpu.dma_semaphore, #tpu.memory_space<semaphore_mem>>)
      %add3A_123 = arith.constant 2 : i32
      %add3A_124 = arith.addi %add3A_68, %add3A_123 : i32
      %mul3A_125 = arith.constant 128 : i32
      %mul3A_126 = arith.muli %add3A_124, %mul3A_125 : i32
      %min3A_127 = arith.constant 32640 : i32
      %min3A_128 = arith.minsi %mul3A_126, %min3A_127 : i32
      %dma_wait3A_129 = tpu.memref_slice %arg7[%min3A_128] : memref<32768xi32, #tpu.memory_space<vmem>> -> memref<128xi32, #tpu.memory_space<vmem>>
      %dma_wait3A_130 = arith.constant 0 : i32
      %dma_wait3A_131 = arith.constant 0 : i32
      %dma_wait3A_132 = tpu.memref_slice %arg2[%dma_wait3A_130, %dma_wait3A_131] : memref<1000000x32xf32, #tpu.memory_space<hbm>> -> memref<1000000x32xf32, #tpu.memory_space<hbm>>
      tpu.wait_indirect_dma semaphore(%arg15 : memref<!tpu.dma_semaphore, #tpu.memory_space<semaphore_mem>>) src(%dma_wait3A_132 : memref<1000000x32xf32, #tpu.memory_space<hbm>>) dst(%arg10 : memref<128x32xf32, #tpu.memory_space<vmem>>)
      %get3A_133 = arith.constant 0 : i32
      %get3A_134 = arith.index_cast %get3A_133 : i32 to index
      %get3A_135 = arith.constant 0 : index
      %get3A_136 = tpu.vector_load %arg10[%get3A_134, %get3A_135] {strides = array<i32>} : memref<128x32xf32, #tpu.memory_space<vmem>>, vector<16xf32>,
      %mul3A_137 = arith.constant 128 : i32
      %mul3A_138 = arith.muli %add3A_124, %mul3A_137 : i32
      %swap3A_139 = arith.index_cast %mul3A_138 : i32 to index
      %swap3A_140 = tpu.vector_load %arg12[%swap3A_139] {strides = array<i32>} : memref<32768xf32, #tpu.memory_space<vmem>>, vector<16xf32>,
      tpu.vector_store %arg12[%swap3A_139], %get3A_136 {strides = array<i32>} : memref<32768xf32, #tpu.memory_space<vmem>>, vector<16xf32>,
      %add3A_141 = arith.constant 4 : i32
      %add3A_142 = arith.addi %add3A_124, %add3A_141 : i32
      %mul3A_143 = arith.constant 128 : i32
      %mul3A_144 = arith.muli %add3A_142, %mul3A_143 : i32
      %min3A_145 = arith.constant 32640 : i32
      %min3A_146 = arith.minsi %mul3A_144, %min3A_145 : i32
      %dma_start3A_147 = tpu.memref_slice %arg7[%min3A_146] : memref<32768xi32, #tpu.memory_space<vmem>> -> memref<128xi32, #tpu.memory_space<vmem>>
      %dma_start3A_148 = arith.constant 0 : i32
      %dma_start3A_149 = arith.constant 0 : i32
      %dma_start3A_150 = tpu.memref_slice %arg2[%dma_start3A_148, %dma_start3A_149] : memref<1000000x32xf32, #tpu.memory_space<hbm>> -> memref<1000000x32xf32, #tpu.memory_space<hbm>>
      tpu.enqueue_indirect_dma source(%dma_start3A_150 : memref<1000000x32xf32, #tpu.memory_space<hbm>>) target(%arg10 : memref<128x32xf32, #tpu.memory_space<vmem>>) offsets(%dma_start3A_147 : memref<128xi32, #tpu.memory_space<vmem>>) semaphore(%arg15 : memref<!tpu.dma_semaphore, #tpu.memory_space<semaphore_mem>>)
      %add3A_151 = arith.constant 3 : i32
      %add3A_152 = arith.addi %add3A_68, %add3A_151 : i32
      %mul3A_153 = arith.constant 128 : i32
      %mul3A_154 = arith.muli %add3A_152, %mul3A_153 : i32
      %min3A_155 = arith.constant 32640 : i32
      %min3A_156 = arith.minsi %mul3A_154, %min3A_155 : i32
      %dma_wait3A_157 = tpu.memref_slice %arg7[%min3A_156] : memref<32768xi32, #tpu.memory_space<vmem>> -> memref<128xi32, #tpu.memory_space<vmem>>
      %dma_wait3A_158 = arith.constant 0 : i32
      %dma_wait3A_159 = arith.constant 0 : i32
      %dma_wait3A_160 = tpu.memref_slice %arg2[%dma_wait3A_158, %dma_wait3A_159] : memref<1000000x32xf32, #tpu.memory_space<hbm>> -> memref<1000000x32xf32, #tpu.memory_space<hbm>>
      tpu.wait_indirect_dma semaphore(%arg16 : memref<!tpu.dma_semaphore, #tpu.memory_space<semaphore_mem>>) src(%dma_wait3A_160 : memref<1000000x32xf32, #tpu.memory_space<hbm>>) dst(%arg11 : memref<128x32xf32, #tpu.memory_space<vmem>>)
      %get3A_161 = arith.constant 0 : i32
      %get3A_162 = arith.index_cast %get3A_161 : i32 to index
      %get3A_163 = arith.constant 0 : index
      %get3A_164 = tpu.vector_load %arg11[%get3A_162, %get3A_163] {strides = array<i32>} : memref<128x32xf32, #tpu.memory_space<vmem>>, vector<16xf32>,
      %mul3A_165 = arith.constant 128 : i32
      %mul3A_166 = arith.muli %add3A_152, %mul3A_165 : i32
      %swap3A_167 = arith.index_cast %mul3A_166 : i32 to index
      %swap3A_168 = tpu.vector_load %arg12[%swap3A_167] {strides = array<i32>} : memref<32768xf32, #tpu.memory_space<vmem>>, vector<16xf32>,
      tpu.vector_store %arg12[%swap3A_167], %get3A_164 {strides = array<i32>} : memref<32768xf32, #tpu.memory_space<vmem>>, vector<16xf32>,
      %add3A_169 = arith.constant 4 : i32
      %add3A_170 = arith.addi %add3A_152, %add3A_169 : i32
      %mul3A_171 = arith.constant 128 : i32
      %mul3A_172 = arith.muli %add3A_170, %mul3A_171 : i32
      %min3A_173 = arith.constant 32640 : i32
      %min3A_174 = arith.minsi %mul3A_172, %min3A_173 : i32
      %dma_start3A_175 = tpu.memref_slice %arg7[%min3A_174] : memref<32768xi32, #tpu.memory_space<vmem>> -> memref<128xi32, #tpu.memory_space<vmem>>
      %dma_start3A_176 = arith.constant 0 : i32
      %dma_start3A_177 = arith.constant 0 : i32
      %dma_start3A_178 = tpu.memref_slice %arg2[%dma_start3A_176, %dma_start3A_177] : memref<1000000x32xf32, #tpu.memory_space<hbm>> -> memref<1000000x32xf32, #tpu.memory_space<hbm>>
      tpu.enqueue_indirect_dma source(%dma_start3A_178 : memref<1000000x32xf32, #tpu.memory_space<hbm>>) target(%arg11 : memref<128x32xf32, #tpu.memory_space<vmem>>) offsets(%dma_start3A_175 : memref<128xi32, #tpu.memory_space<vmem>>) semaphore(%arg16 : memref<!tpu.dma_semaphore, #tpu.memory_space<semaphore_mem>>)
    }
    %scan3A_36 = arith.constant 64 : i32
    %min3A_37 = arith.constant 0 : i32
    %min3A_38 = arith.constant 32640 : i32
    %min3A_39 = arith.minsi %min3A_37, %min3A_38 : i32
    %dma_wait3A = tpu.memref_slice %arg7[%min3A_39] : memref<32768xi32, #tpu.memory_space<vmem>> -> memref<128xi32, #tpu.memory_space<vmem>>
    %dma_wait3A_40 = arith.constant 0 : i32
    %dma_wait3A_41 = arith.constant 0 : i32
    %dma_wait3A_42 = tpu.memref_slice %arg2[%dma_wait3A_40, %dma_wait3A_41] : memref<1000000x32xf32, #tpu.memory_space<hbm>> -> memref<1000000x32xf32, #tpu.memory_space<hbm>>
    tpu.wait_indirect_dma semaphore(%arg13 : memref<!tpu.dma_semaphore, #tpu.memory_space<semaphore_mem>>) src(%dma_wait3A_42 : memref<1000000x32xf32, #tpu.memory_space<hbm>>) dst(%arg8 : memref<128x32xf32, #tpu.memory_space<vmem>>)
    %min3A_43 = arith.constant 0 : i32
    %min3A_44 = arith.constant 32640 : i32
    %min3A_45 = arith.minsi %min3A_43, %min3A_44 : i32
    %dma_wait3A_46 = tpu.memref_slice %arg7[%min3A_45] : memref<32768xi32, #tpu.memory_space<vmem>> -> memref<128xi32, #tpu.memory_space<vmem>>
    %dma_wait3A_47 = arith.constant 0 : i32
    %dma_wait3A_48 = arith.constant 0 : i32
    %dma_wait3A_49 = tpu.memref_slice %arg2[%dma_wait3A_47, %dma_wait3A_48] : memref<1000000x32xf32, #tpu.memory_space<hbm>> -> memref<1000000x32xf32, #tpu.memory_space<hbm>>
    tpu.wait_indirect_dma semaphore(%arg14 : memref<!tpu.dma_semaphore, #tpu.memory_space<semaphore_mem>>) src(%dma_wait3A_49 : memref<1000000x32xf32, #tpu.memory_space<hbm>>) dst(%arg9 : memref<128x32xf32, #tpu.memory_space<vmem>>)
    %min3A_50 = arith.constant 0 : i32
    %min3A_51 = arith.constant 32640 : i32
    %min3A_52 = arith.minsi %min3A_50, %min3A_51 : i32
    %dma_wait3A_53 = tpu.memref_slice %arg7[%min3A_52] : memref<32768xi32, #tpu.memory_space<vmem>> -> memref<128xi32, #tpu.memory_space<vmem>>
    %dma_wait3A_54 = arith.constant 0 : i32
    %dma_wait3A_55 = arith.constant 0 : i32
    %dma_wait3A_56 = tpu.memref_slice %arg2[%dma_wait3A_54, %dma_wait3A_55] : memref<1000000x32xf32, #tpu.memory_space<hbm>> -> memref<1000000x32xf32, #tpu.memory_space<hbm>>
    tpu.wait_indirect_dma semaphore(%arg15 : memref<!tpu.dma_semaphore, #tpu.memory_space<semaphore_mem>>) src(%dma_wait3A_56 : memref<1000000x32xf32, #tpu.memory_space<hbm>>) dst(%arg10 : memref<128x32xf32, #tpu.memory_space<vmem>>)
    %min3A_57 = arith.constant 0 : i32
    %min3A_58 = arith.constant 32640 : i32
    %min3A_59 = arith.minsi %min3A_57, %min3A_58 : i32
    %dma_wait3A_60 = tpu.memref_slice %arg7[%min3A_59] : memref<32768xi32, #tpu.memory_space<vmem>> -> memref<128xi32, #tpu.memory_space<vmem>>
    %dma_wait3A_61 = arith.constant 0 : i32
    %dma_wait3A_62 = arith.constant 0 : i32
    %dma_wait3A_63 = tpu.memref_slice %arg2[%dma_wait3A_61, %dma_wait3A_62] : memref<1000000x32xf32, #tpu.memory_space<hbm>> -> memref<1000000x32xf32, #tpu.memory_space<hbm>>
    tpu.wait_indirect_dma semaphore(%arg16 : memref<!tpu.dma_semaphore, #tpu.memory_space<semaphore_mem>>) src(%dma_wait3A_63 : memref<1000000x32xf32, #tpu.memory_space<hbm>>) dst(%arg11 : memref<128x32xf32, #tpu.memory_space<vmem>>)
    "tpu.region"() ({
      %run_scoped3A = tpu.sem_alloc : memref<!tpu.dma_semaphore, #tpu.memory_space<semaphore_mem>>
      %dma_start3A_64 = tpu.memref_slice %arg5[%mul3A_2] : memref<1048576xf32, #tpu.memory_space<hbm>> -> memref<32768xf32, #tpu.memory_space<hbm>>
      %dma_start3A_65 = tpu.memref_slice %arg5[%mul3A_2] : memref<1048576xf32, #tpu.memory_space<hbm>> -> memref<32768xf32, #tpu.memory_space<hbm>>
      tpu.enqueue_dma source(%arg12 : memref<32768xf32, #tpu.memory_space<vmem>>) target(%dma_start3A_65 : memref<32768xf32, #tpu.memory_space<hbm>>) target_semaphore(%run_scoped3A : memref<!tpu.dma_semaphore, #tpu.memory_space<semaphore_mem>>)
      %dma_wait3A_66 = tpu.memref_slice %arg5[%mul3A_2] : memref<1048576xf32, #tpu.memory_space<hbm>> -> memref<32768xf32, #tpu.memory_space<hbm>>
      %dma_wait3A_67 = tpu.memref_slice %arg5[%mul3A_2] : memref<1048576xf32, #tpu.memory_space<hbm>> -> memref<32768xf32, #tpu.memory_space<hbm>>
      tpu.wait_dma2 semaphore(%run_scoped3A : memref<!tpu.dma_semaphore, #tpu.memory_space<semaphore_mem>>) src(%arg12 : memref<32768xf32, #tpu.memory_space<vmem>>) dst(%dma_wait3A_67 : memref<32768xf32, #tpu.memory_space<hbm>>)
      tpu.yield
    }) : () -> ()
    return
  }
}

module attributes {stable_mosaic.version = 14 : i64} {
  func.func @body(%arg0: memref<16384x10xf32, #tpu.memory_space<vmem>>, %arg1: memref<32x10xf32, #tpu.memory_space<vmem>>, %arg2: memref<1x32xf32, #tpu.memory_space<vmem>>, %arg3: memref<32x32xf32, #tpu.memory_space<vmem>>, %arg4: memref<1x32xf32, #tpu.memory_space<vmem>>, %arg5: memref<1xf32, #tpu.memory_space<smem>>, %arg6: memref<16384x32xf32, #tpu.memory_space<vmem>>) attributes {dimension_semantics = [], scalar_prefetch = 0 : i64, scratch_operands = 0 : i64, tpu.core_type = #tpu.core_type<tc>} {
    %get3A = arith.constant 0 : index
    %get3A_0 = arith.constant 0 : index
    %get3A_1 = vector.load %arg0[%get3A, %get3A_0] : memref<16384x10xf32, #tpu.memory_space<vmem>>, vector<16384x10xf32>
    %get3A_2 = arith.constant 0 : index
    %get3A_3 = arith.constant 0 : index
    %get3A_4 = vector.load %arg1[%get3A_2, %get3A_3] : memref<32x10xf32, #tpu.memory_space<vmem>>, vector<32x10xf32>
    %transpose3A = tpu.transpose %get3A_4, [1, 0] : vector<32x10xf32> -> vector<10x32xf32>
    %dot_general3A = arith.constant dense<0.000000e+00> : vector<16384x32xf32>
    %dot_general3A_5 = tpu.matmul %get3A_1, %transpose3A, %dot_general3A {dimension_numbers = #tpu.dot_dimension_numbers<[1], [0], [0], [1], [0, 0, 1, 1], [], []>, transpose_lhs_hint = false} : vector<16384x10xf32>, vector<10x32xf32>, vector<16384x32xf32> -> vector<16384x32xf32>
    %get3A_6 = arith.constant 0 : index
    %get3A_7 = arith.constant 0 : index
    %get3A_8 = vector.load %arg2[%get3A_6, %get3A_7] : memref<1x32xf32, #tpu.memory_space<vmem>>, vector<1x32xf32>
    %add3A = vector.broadcast %get3A_8 : vector<1x32xf32> to vector<16384x32xf32>
    %add3A_9 = arith.addf %dot_general3A_5, %add3A : vector<16384x32xf32>
    %max3A = arith.constant 0.000000e+00 : f32
    %max3A_10 = vector.broadcast %max3A : f32 to vector<16384x32xf32>
    %max3A_11 = arith.maximumf %add3A_9, %max3A_10 : vector<16384x32xf32>
    %get3A_12 = arith.constant 0 : index
    %get3A_13 = arith.constant 0 : index
    %get3A_14 = vector.load %arg3[%get3A_12, %get3A_13] : memref<32x32xf32, #tpu.memory_space<vmem>>, vector<32x32xf32>
    %transpose3A_15 = tpu.transpose %get3A_14, [1, 0] : vector<32x32xf32> -> vector<32x32xf32>
    %dot_general3A_16 = arith.constant dense<0.000000e+00> : vector<16384x32xf32>
    %dot_general3A_17 = tpu.matmul %max3A_11, %transpose3A_15, %dot_general3A_16 {dimension_numbers = #tpu.dot_dimension_numbers<[1], [0], [0], [1], [0, 0, 1, 1], [], []>, transpose_lhs_hint = false} : vector<16384x32xf32>, vector<32x32xf32>, vector<16384x32xf32> -> vector<16384x32xf32>
    %get3A_18 = arith.constant 0 : index
    %get3A_19 = arith.constant 0 : index
    %get3A_20 = vector.load %arg4[%get3A_18, %get3A_19] : memref<1x32xf32, #tpu.memory_space<vmem>>, vector<1x32xf32>
    %add3A_21 = vector.broadcast %get3A_20 : vector<1x32xf32> to vector<16384x32xf32>
    %add3A_22 = arith.addf %dot_general3A_17, %add3A_21 : vector<16384x32xf32>
    %get3A_23 = arith.constant 0 : index
    %get3A_24 = memref.load %arg5[%get3A_23] : memref<1xf32, #tpu.memory_space<smem>>
    %div3A = vector.broadcast %get3A_24 : f32 to vector<16384x32xf32>
    %div3A_25 = arith.divf %add3A_22, %div3A : vector<16384x32xf32>
    %swap3A = arith.constant 0 : index
    %swap3A_26 = arith.constant 0 : index
    %swap3A_27 = vector.load %arg6[%swap3A, %swap3A_26] : memref<16384x32xf32, #tpu.memory_space<vmem>>, vector<16384x32xf32>
    tpu.vector_store %arg6[%swap3A, %swap3A_26], %div3A_25 {strides = array<i32>} : memref<16384x32xf32, #tpu.memory_space<vmem>>, vector<16384x32xf32>,
    return
  }
}

</mosaic_0001>

<sc_bundles>
// kernel: kernel.4.cloned.1.call-start
scs
__scs_entry_jumppad:
0x0: {  	(pc) =	sbr.rel $0x88, $3  }
0x1: {  	(tag) =	ssettag $0x0;
	lr =	simm.s32 $0x1  }
0x2: {  	[smem:$0x3F99] =	sst lr;
	_ =	strace $0xD0000000  }
0x3: {  	_ = 	snop  }
0x4: {  	_ = 	snop  }
0x5: {  	_ = 	snop  }
0x6: {  	_ = 	snop  }
0x7: {  	_ = 	snop  }
__scs_overlays_trampoline_lowered:
0x8: {  	[smem:$0x3FA8] =	sst s0  }
0x9: {  	[smem:$0x3FA9] =	sst s1  }
0xa: {  	[smem:$0x3FAA] =	sst s2  }
0xb: {  	[smem:$0x3FAB] =	sst s3  }
0xc: {  	[smem:$0x3FAC] =	sst s4  }
0xd: {  	[smem:$0x3FAD] =	sst s5  }
0xe: {  	[smem:$0x3FAE] =	sst s6  }
0xf: {  	[smem:$0x3FAF] =	sst s7  }
0x10: {  	[smem:$0x3FB0] =	sst s8  }
0x11: {  	[smem:$0x3FB1] =	sst s9;
	s0 =	simm.s32 @!p0 $0x0  }
0x12: {  	s1 =	sld [smem:$0x3F97];
	s0 =	simm.s32 @p0 $0x1  }
0x13: {  	[smem:$0x3FB2] =	sst s0;
	s0 =	simm.s32 @!p1 $0x0  }
0x14: {  	s2 =	sld [smem:$0x3F96];
	s0 =	simm.s32 @p1 $0x1  }
0x15: {  	[smem:$0x3FB3] =	sst s0;
	s0 =	simm.s32 @!p2 $0x0  }
0x16: {  	s3 =	sld [smem:$0x3FDB];
	s0 =	simm.s32 @p2 $0x1  }
0x17: {  	s4 =	simm.s32 $0x1BF5;
	[smem:$0x3FB5] =	sst s0  }
0x18: {  	s0 =	sld [smem:$0x3F98];
	_ =	swait.ge [sflag:s4], $0x0  }
0x19: {  	s7 =	sld [smem:$0x3F99]  }
0x1a: {  	s8 =	sadd.s32 $0xFFFFE003, lr  }
0x1b: {  	s9 =	sadd.s32 $0xFFFFFEF7, lr;
	s5 =	simm.s32 $0xFFFFFFFF;
	p2 =	slt.u32 s8, $0xFFFFF086  }
0x1c: {  	p1 =	slt.u32 s9, $0xF7A;
	s5 =	simm.s32 @!p2 $0x0  }
0x1d: {  	s5 =	simm.s32 @p1 $0x1;
	p0 =	seq.s32 s7, s2  }
0x1e: {  	s7 =	smul.u32 @!p0 $0xF7A, s2;
	p2 =	seq.s32 @!p0 s5, $0x0  }
0x1f: {  	s9 =	smul.u32 $0xF7A, s1;
	s8 =	simm.s32 @!p0 $0x1BF5;
	p2 =	por !p2, p0  }
0x20: {  	[sflag:s8] =	ssyncset.s32 @!p0 $0xFFFFF086;
	s6 =	sadd.s32 @!p0 s3, s7;
	s7 =	simm.s32 @!p0 $0x108  }
0x21: {  	s3 =	sadd.s32 s3, s9;
	s6 =	sadd.s32 @!p0 $0x88, s6;
	s7 =	simm.s32 @p2 $0x1082  }
0x22: {  	[simem:s7], [sflag:s8] =	dma.local @!p0 [hbm:s6], $0xF7A  }
0x23: {  	s9 =	sor.u32 $0xD0000000, s2;
	s6 =	simm.s32 $0x108;
	_ =	swait.ge @!p0 [sflag:s8], $0x0  }
0x24: {  	s3 =	sadd.s32 $0x88, s3;
	s6 =	simm.s32 @!p1 $0x1082;
	[sflag:s4] =	ssyncset.s32 $0xFFFFF086  }
0x25: {  	[simem:s6], [sflag:s4] =	dma.local [hbm:s3], $0xF7A  }
0x26: {  	[smem:$0x3F99] =	sst s1;
	(tag) =	ssettag s2;
	_ =	strace s9  }
0x27: {  	s1 =	sld [smem:$0x3FA9]  }
0x28: {  	s2 =	sld [smem:$0x3FAA]  }
0x29: {  	s4 =	sld [smem:$0x3FAC]  }
0x2a: {  	p0 =	seq.s32 s5, $0x0;
	s5 =	sld [smem:$0x3FAD]  }
0x2b: {  	s6 =	sld [smem:$0x3FAE]  }
0x2c: {  	s7 =	sld [smem:$0x3FAF]  }
0x2d: {  	s3 =	simm.s32 $0x108;
	s8 =	sld [smem:$0x3FB0]  }
0x2e: {  	s3 =	simm.s32 @!p0 $0x1082;
	s9 =	sld [smem:$0x3FB1]  }
0x2f: {  	lr =	sadd.s32 s0, s3;
	s0 =	sld [smem:$0x3FA8]  }
0x30: {  	s3 =	sld [smem:$0x3FAB]  }
0x31: {  	[smem:$0x3FB4] =	sst s10  }
0x32: {  	s10 =	sld [smem:$0x3FB2];
	_ =	sdelay $0x3  }
0x33: {  	p0 =	seq.s32 s10, $0x1;
	s10 =	sld [smem:$0x3FB4];
	_ =	sdelay $0x3  }
0x34: {  	[smem:$0x3FB4] =	sst s10  }
0x35: {  	s10 =	sld [smem:$0x3FB3];
	_ =	sdelay $0x3  }
0x36: {  	p1 =	seq.s32 s10, $0x1;
	s10 =	sld [smem:$0x3FB4];
	_ =	sdelay $0x3  }
0x37: {  	[smem:$0x3FB4] =	sst s10  }
0x38: {  	s10 =	sld [smem:$0x3FB5]  }
0x39: {  	_ = 	snop;
	(pc) =	sbr.ind lr, $3  }
0x3a: {  	_ = 	snop  }
0x3b: {  	_ = 	snop  }
0x3c: {  	p2 =	seq.s32 s10, $0x1;
	s10 =	sld [smem:$0x3FB4]  }
0x3d: {  	_ =	shalt  }
0x3e: {  	_ =	shalt  }
0x3f: {  	_ =	shalt  }
0x40: {  	_ =	shalt  }
0x41: {  	_ =	shalt  }
0x42: {  	_ =	shalt  }
0x43: {  	_ =	shalt  }
0x44: {  	_ =	shalt  }
0x45: {  	_ =	shalt  }
0x46: {  	_ =	shalt  }
0x47: {  	_ =	shalt  }
0x48: {  	_ =	shalt  }
0x49: {  	_ =	shalt  }
0x4a: {  	_ =	shalt  }
0x4b: {  	_ =	shalt  }
0x4c: {  	_ =	shalt  }
0x4d: {  	_ =	shalt  }
0x4e: {  	_ =	shalt  }
0x4f: {  	_ =	shalt  }
0x50: {  	_ =	shalt  }
0x51: {  	_ =	shalt  }
0x52: {  	_ =	shalt  }
0x53: {  	_ =	shalt  }
0x54: {  	_ =	shalt  }
0x55: {  	_ =	shalt  }
0x56: {  	_ =	shalt  }
0x57: {  	_ =	shalt  }
0x58: {  	_ =	shalt  }
0x59: {  	_ =	shalt  }
0x5a: {  	_ =	shalt  }
0x5b: {  	_ =	shalt  }
0x5c: {  	_ =	shalt  }
0x5d: {  	_ =	shalt  }
0x5e: {  	_ =	shalt  }
0x5f: {  	_ =	shalt  }
0x60: {  	_ =	shalt  }
0x61: {  	_ =	shalt  }
0x62: {  	_ =	shalt  }
0x63: {  	_ =	shalt  }
0x64: {  	_ =	shalt  }
0x65: {  	_ =	shalt  }
0x66: {  	_ =	shalt  }
0x67: {  	_ =	shalt  }
0x68: {  	_ =	shalt  }
0x69: {  	_ =	shalt  }
0x6a: {  	_ =	shalt  }
0x6b: {  	_ =	shalt  }
0x6c: {  	_ =	shalt  }
0x6d: {  	_ =	shalt  }
0x6e: {  	_ =	shalt  }
0x6f: {  	_ =	shalt  }
0x70: {  	_ =	shalt  }
0x71: {  	_ =	shalt  }
0x72: {  	_ =	shalt  }
0x73: {  	_ =	shalt  }
0x74: {  	_ =	shalt  }
0x75: {  	_ =	shalt  }
0x76: {  	_ =	shalt  }
0x77: {  	_ =	shalt  }
0x78: {  	_ =	shalt  }
0x79: {  	_ =	shalt  }
0x7a: {  	_ =	shalt  }
0x7b: {  	_ =	shalt  }
0x7c: {  	_ =	shalt  }
0x7d: {  	_ =	shalt  }
0x7e: {  	_ =	shalt  }
0x7f: {  	_ =	shalt  }
0x80: {  	_ =	shalt  }
0x81: {  	_ =	shalt  }
0x82: {  	_ =	shalt  }
0x83: {  	_ =	shalt  }
0x84: {  	_ =	shalt  }
0x85: {  	_ =	shalt  }
0x86: {  	_ =	shalt  }
0x87: {  	_ =	shalt  }
.Lfunc_end0:
.L_simem_size_0:
called_computation_lowered:
.L_overlay_start_0:
0x88: {  	s2 =	sld [smem:$0x3FD9]  }
0x89: {  	s3 =	sld [smem:$0x3FFE];
	_ =	sdelay $0x1  }
0x8a: {  	s1 =	srdreg.scid  }
0x8b: {  	s0 =	sand.u32 $0x1, s1  }
0x8c: {  	s17 =	sshll.u32 s0, $0xA;
	s2 =	sadd.s32 s3, s2  }
0x8d: {  	s2 =	sadd.s32 s2, s17  }
0x8e: {  	[smem:$0x3FC0] =	sst s2  }
0x8f: {  	_ = 	snop  }
0x90: {  	s2 =	sld [smem:$0x3FD0];
	(tm) =	ssettm $0x1  }
0x91: {  	s18 =	sld [smem:$0x3FFB];
	_ =	sdelay $0x3  }
0x92: {  	_ =	strace s18  }
0x93: {  	s3 =	sld [smem:$0x3FFC];
	_ =	sdelay $0x3  }
0x94: {  	_ =	strace s3  }
0x95: {  	s3 =	sld [smem:$0x3FFD];
	_ =	sdelay $0x3  }
0x96: {  	_ =	strace s3  }
0x97: {  	_ =	strace $0x8FFFFFFF  }
0x98: {  	s19 =	sld [smem:$0x3FDB];
	_ =	sdelay $0x1  }
0x99: {  	s4 =	simm.s32 $_scs_section_size  }
0x9a: {  	s5 =	simm.s32 $_size__tile_overlayer_lowered;
	s6 =	simm.s32 $_tile_overlayer_lowered  }
0x9b: {  	s22 =	simm.s32 $0x1BFF;
	s21 =	sshll.u32 s6, $0x1;
	s3 =	sadd.s32 s4, s19  }
0x9c: {  	s7 =	simm.s32 $0x0;
	s20 =	sshll.u32 s5, $0x1;
	s5 =	sadd.s32 s21, s3  }
0x9d: {  	[timem:s7], [sflag:s22] =	dma.local [hbm:s5], s20  }
0x9e: {  	_ =	swait.ge [sflag:s22], s20  }
0x9f: {  	s4 =	ssub.s32 $0x0, s20;
	[sflag:s22] =	ssyncset.done $0x0  }
0xa0: {  	[sflag:s22] =	ssyncadd.s32 s4;
	_ =	sdelay $0x1  }
0xa1: {  	s23 =	simm.s32 $0x1B8B  }
0xa2: {  	_ =	swait.ge [sflag:s23], $0x1  }
0xa3: {  	[sflag:s23] =	ssyncset.done $0x0  }
0xa4: {  	s25 =	simm.s32 $0x1B8E;
	s24 =	sld [smem:$0x3FFE];
	[sflag:s23] =	ssyncadd.s32 $0xFFFFFFFF  }
0xa5: {  	s26 =	simm.s32 $execute0_lowered;
	[smem:$0x3FD2] =	sst s25  }
0xa6: {  	s5 =	sshll.u32 s26, $0x1;
	_ =	strace $0x80000046;
	[dreg:$0x1] =	wrdreg $0xFFFFFFFF  }
0xa7: {  	s28 =	simm.s32 $_size_execute0_lowered;
	s3 =	sadd.s32 s3, s5;
	[dreg:$0x0] =	wrdreg $0x0  }
0xa8: {  	s5 =	sshll.u32 s28, $0x1;
	[dreg:$0x2] =	wrdreg s3  }
0xa9: {  	[dreg:$0x3] =	wrdreg s5  }
0xaa: {  	[dreg:$0x4] =	wrdreg $0xC0  }
0xab: {  	_ =	task [dreg:s7], $0x5FFFF  }
0xac: {  	[dreg:$0x1] =	wrdreg $0xFFFFFFFF  }
0xad: {  	[dreg:$0x0] =	wrdreg $0x60  }
0xae: {  	[dreg:$0x2] =	wrdreg s24  }
0xaf: {  	[dreg:$0x3] =	wrdreg s2  }
0xb0: {  	[dreg:$0x4] =	wrdreg $0x9  }
0xb1: {  	_ =	task.clear_ibuf [dreg:s7], $0x5FFFF;
	_ =	strace $0x90000046  }
0xb2: {  	s29 =	simm.s32 $0x9;
	_ =	strace $0x80000048  }
0xb3: {  	_ =	swait.ge [sflag:s29], $0x1  }
0xb4: {  	[sflag:s29] =	ssyncadd.s32 $0xFFFFFFFF  }
0xb5: {  	_ =	strace $0x90000048  }
0xb6: {  	_ =	sfence  }
0xb7: {  	s30 =	sld [smem:$0x0];
	_ =	sdelay $0x2  }
0xb8: {  	s31 =	sshll.u32 s1, $0xD;
	s1 =	sshrl.u32 s1, $0x2  }
0xb9: {  	s3 =	sand.u32 $0x4000, s31;
	s1 =	sadd.s32 s1, s30  }
0xba: {  	s0 =	sor.u32 s3, s0;
	s1 =	sshll.u32 s1, $0x11  }
0xbb: {  	s0 =	sor.u32 s1, s0  }
0xbc: {  	s0 =	sadd.s32 $0x8F2B, s0  }
0xbd: {  	[sflag:s0] =	ssyncadd.remote.s32 $0x1  }
0xbe: {  	_ =	sfence.sel $0xFFFF  }
0xbf: {  	[dreg:$0x0] =	wrdreg $0xFFFFFFFF;
	(pc) =	sbr.abs _section_cstart, $3  }
0xc0: {  	[dreg:$0x1] =	wrdreg $0xFFFFFFFF  }
0xc1: {  	_ =	task.clear_ibuf [dreg:s7], $0x2FFFF;
	_ =	strace $0x9FFFFFFF  }
0xc2: {  	(tm) =	ssettm $0x7FFFFFFF  }
0xc3: {  	_ =	shalt  }
tec
execute0_lowered:
.L_overlay_start_1:
0x0: {  	(tag) =	ssettag $0x1  }
0x1: {  	s4 =	rddreg [dreg:$0x0]  }
0x2: {  	s5 =	rddreg [dreg:$0x1]  }
0x3: {  	s0 =	rddreg [dreg:$0x2]  }
0x4: {  	s2 =	simm.s32 $0x0;
	s3 =	srdreg.scid;
	s1 =	stileid.u32  }
0x5: {  	s10 =	simm.s32 $0x80;
	s11 =	simm.s32 $0xC000;
	s12 =	simm.s32 $0x4080  }
0x6: {  	s13 =	simm.s32 $0xD000;
	s14 =	simm.s32 $0x4100;
	s15 =	simm.s32 $0xE000  }
0x7: {  	s16 =	simm.s32 $0x4180;
	s17 =	simm.s32 $0xF000;
	s18 =	simm.s32 $0x1  }
0x8: {  	s19 =	simm.s32 $0x2;
	s20 =	simm.s32 $0x3;
	s21 =	simm.s32 $0x4  }
0x9: {  	s22 =	simm.s32 $0xBE00;
	s23 =	simm.s32 $0xBE80;
	s24 =	simm.s32 $0xBF00  }
0xa: {  	s25 =	simm.s32 $0xBF80;
	s26 =	simm.s32 $0x10000;
	s28 =	simm.s32 $0x0  }
0xb: {  	[smem:$0x7FF] =	sst s2;
	s3 =	sand.u32 $0x1, s3;
	s6 =	sshll.u32 s1, $0x1  }
0xc: {  	_ =	strace $0x80000047;
	s6 =	sor.u32 s3, s6;
	s7 =	ssub.s32 $0x2, s3  }
0xd: {  	s3 =	sadd.s32 $0xF43400, s4;
	s8 =	sshll.u32 s6, $0xC;
	s9 =	sshrl.u32 s7, $0x1  }
0xe: {  	s31 =	sshll.u32 s6, $0xB;
	s8 =	sadd.s32 s8, s4;
	s7 =	ssub.s32 s7, s9  }
0xf: {  	s4 =	sadd.s32 s5, s31;
	s9 =	simm.s32 $0x4000;
	s5 =	sadd.s32 $0x1000, s8  }
0x10: {  	s6 =	sadd.s32 $0x21000, s8;
	s7 =	smax.u32 s7, $0x1;
	s8 =	simm.s32 $0x5  }
.LBB2_1:
0x11: {  	[tilespmem:s2], [sflag:$0x5] =	stream.linear.gather [hbm4b:s4+s2], $0x4000, $0x38;
	[tilespmem:$0x18000] =	vst v63  }
0x12: {  	_ =	swait.ge [sflag:s8], $0x4000  }
0x13: {  	[sflag:s8] =	ssyncset.done $0x0  }
0x14: {  	[sflag:s8] =	ssyncadd.s32 $0xFFFFC000  }
0x15: {  	[tilespmem:s9], [sflag:$0x5] =	stream.linear.gather [hbm4b:s5+s2], $0x8000, $0x38;
	[tilespmem:$0x18000] =	vst v63  }
0x16: {  	_ =	swait.ge [sflag:s8], $0x8000  }
0x17: {  	[sflag:s8] =	ssyncset.done $0x0  }
0x18: {  	[sflag:s8] =	ssyncadd.s32 $0xFFFF8000  }
0x19: {  	[tilespmem:s11], [sflag:$0x1] =	stream.indirect.gather [hbm4b:s3+s10], $0x20, s9, s10, $0xb8;
	[tilespmem:$0x18000] =	vst v63  }
0x1a: {  	_ = 	snop  }
0x1b: {  	[tilespmem:s13], [sflag:$0x2] =	stream.indirect.gather [hbm4b:s3+s10], $0x20, s12, s10, $0xb8;
	[tilespmem:$0x18000] =	vst v63  }
0x1c: {  	_ = 	snop  }
0x1d: {  	[tilespmem:s15], [sflag:$0x3] =	stream.indirect.gather [hbm4b:s3+s10], $0x20, s14, s10, $0xb8;
	[tilespmem:$0x18000] =	vst v63  }
0x1e: {  	_ = 	snop  }
0x1f: {  	[tilespmem:s17], [sflag:$0x4] =	stream.indirect.gather [hbm4b:s3+s10], $0x20, s16, s10, $0xb8;
	[tilespmem:$0x18000] =	vst v63  }
0x20: {  	_ =	swait.ge [sflag:s18], $0x1000  }
0x21: {  	[sflag:s18] =	ssyncset.done $0x0  }
0x22: {  	[sflag:s18] =	ssyncadd.s32 $0xFFFFF000  }
0x23: {  	v0 =	vld [tilespmem:$0xC000];
	_ =	sdelay $0x3  }
0x24: {  	s30 =	simm.s32 $0x0  }
0x25: {  	s29 =	simm.s32 $0x4200;
	[tilespmem:s30+$0x10000] =	vst v0  }
0x26: {  	[tilespmem:s11], [sflag:$0x1] =	stream.indirect.gather [hbm4b:s3+s10], $0x20, s29, s10, $0xb8;
	[tilespmem:$0x18000] =	vst v63  }
0x27: {  	_ =	swait.ge [sflag:s19], $0x1000  }
0x28: {  	[sflag:s19] =	ssyncset.done $0x0  }
0x29: {  	[sflag:s19] =	ssyncadd.s32 $0xFFFFF000  }
0x2a: {  	v61 =	vld [tilespmem:$0xD000];
	_ =	sdelay $0x4  }
0x2b: {  	s29 =	simm.s32 $0x4280;
	[tilespmem:s30+$0x10080] =	vst v61  }
0x2c: {  	[tilespmem:s13], [sflag:$0x2] =	stream.indirect.gather [hbm4b:s3+s10], $0x20, s29, s10, $0xb8;
	[tilespmem:$0x18000] =	vst v63  }
0x2d: {  	_ =	swait.ge [sflag:s20], $0x1000  }
0x2e: {  	[sflag:s20] =	ssyncset.done $0x0  }
0x2f: {  	[sflag:s20] =	ssyncadd.s32 $0xFFFFF000  }
0x30: {  	v62 =	vld [tilespmem:$0xE000];
	_ =	sdelay $0x4  }
0x31: {  	s29 =	simm.s32 $0x4300;
	[tilespmem:s30+$0x10100] =	vst v62  }
0x32: {  	[tilespmem:s15], [sflag:$0x3] =	stream.indirect.gather [hbm4b:s3+s10], $0x20, s29, s10, $0xb8;
	[tilespmem:$0x18000] =	vst v63  }
0x33: {  	_ =	swait.ge [sflag:s21], $0x1000  }
0x34: {  	[sflag:s21] =	ssyncset.done $0x0  }
0x35: {  	[sflag:s21] =	ssyncadd.s32 $0xFFFFF000  }
0x36: {  	v63 =	vld [tilespmem:$0xF000];
	_ =	sdelay $0x4  }
0x37: {  	s29 =	simm.s32 $0x800;
	[tilespmem:s30+$0x10180] =	vst v63;
	s30 =	simm.s32 $0x4380  }
.LBB2_2:
0x38: {  	[tilespmem:s17], [sflag:$0x4] =	stream.indirect.gather [hbm4b:s3+s10], $0x20, s30, s10, $0xb8;
	[tilespmem:$0x18000] =	vst v63  }
0x39: {  	s30 =	smov.u32 s29  }
0x3a: {  	p0 =	sne.s32 s29, $0x1E800;
	s29 =	sadd.s32 $0x800, s29;
	_ =	swait.ge [sflag:s18], $0x1000  }
0x3b: {  	[sflag:s18] =	ssyncset.done $0x0  }
0x3c: {  	[sflag:s18] =	ssyncadd.s32 $0xFFFFF000  }
0x3d: {  	v0 =	vld [tilespmem:$0xC000];
	_ =	sdelay $0x3  }
0x3e: {  	s30 =	sshra.s32 s30, $0x2  }
0x3f: {  	s31 =	sadd.s32 $0x4200, s30;
	[tilespmem:s30+$0x10000] =	vst v0  }
0x40: {  	[tilespmem:s11], [sflag:$0x1] =	stream.indirect.gather [hbm4b:s3+s10], $0x20, s31, s10, $0xb8;
	[tilespmem:$0x18000] =	vst v63  }
0x41: {  	_ =	swait.ge [sflag:s19], $0x1000  }
0x42: {  	[sflag:s19] =	ssyncset.done $0x0  }
0x43: {  	[sflag:s19] =	ssyncadd.s32 $0xFFFFF000  }
0x44: {  	v0 =	vld [tilespmem:$0xD000];
	_ =	sdelay $0x4  }
0x45: {  	s31 =	sadd.s32 $0x4280, s30;
	[tilespmem:s30+$0x10080] =	vst v0  }
0x46: {  	[tilespmem:s13], [sflag:$0x2] =	stream.indirect.gather [hbm4b:s3+s10], $0x20, s31, s10, $0xb8;
	[tilespmem:$0x18000] =	vst v63  }
0x47: {  	_ =	swait.ge [sflag:s20], $0x1000  }
0x48: {  	[sflag:s20] =	ssyncset.done $0x0  }
0x49: {  	[sflag:s20] =	ssyncadd.s32 $0xFFFFF000  }
0x4a: {  	v0 =	vld [tilespmem:$0xE000];
	_ =	sdelay $0x4  }
0x4b: {  	s31 =	sadd.s32 $0x4300, s30;
	[tilespmem:s30+$0x10100] =	vst v0  }
0x4c: {  	[tilespmem:s15], [sflag:$0x3] =	stream.indirect.gather [hbm4b:s3+s10], $0x20, s31, s10, $0xb8;
	[tilespmem:$0x18000] =	vst v63  }
0x4d: {  	_ =	swait.ge [sflag:s21], $0x1000  }
0x4e: {  	[sflag:s21] =	ssyncset.done $0x0  }
0x4f: {  	[sflag:s21] =	ssyncadd.s32 $0xFFFFF000  }
0x50: {  	v0 =	vld [tilespmem:$0xF000]  }
.Ltmp0:
0x51: {  	(pc) =	sbr.rel @p0 .LBB2_2-.Ltmp0, $2  }
0x52: {  	_ =	sdelay $0x2  }
0x53: {  	[tilespmem:s30+$0x10180] =	vst v0;
	s30 =	sadd.s32 $0x4380, s30  }
0x54: {  	[tilespmem:s17], [sflag:$0x4] =	stream.indirect.gather [hbm4b:s3+s10], $0x20, s30, s10, $0xb8;
	[tilespmem:$0x18000] =	vst v63  }
0x55: {  	_ =	swait.ge [sflag:s18], $0x1000  }
0x56: {  	[sflag:s18] =	ssyncset.done $0x0  }
0x57: {  	[sflag:s18] =	ssyncadd.s32 $0xFFFFF000  }
0x58: {  	v0 =	vld [tilespmem:$0xC000];
	_ =	sdelay $0x4  }
0x59: {  	[tilespmem:$0x17C00] =	vst v0  }
0x5a: {  	[tilespmem:s11], [sflag:$0x1] =	stream.indirect.gather [hbm4b:s3+s10], $0x20, s22, s10, $0xb8;
	[tilespmem:$0x18000] =	vst v63  }
0x5b: {  	_ =	swait.ge [sflag:s19], $0x1000  }
0x5c: {  	[sflag:s19] =	ssyncset.done $0x0  }
0x5d: {  	[sflag:s19] =	ssyncadd.s32 $0xFFFFF000  }
0x5e: {  	v57 =	vld [tilespmem:$0xD000];
	_ =	sdelay $0x4  }
0x5f: {  	[tilespmem:$0x17C80] =	vst v57  }
0x60: {  	[tilespmem:s13], [sflag:$0x2] =	stream.indirect.gather [hbm4b:s3+s10], $0x20, s23, s10, $0xb8;
	[tilespmem:$0x18000] =	vst v63  }
0x61: {  	_ =	swait.ge [sflag:s20], $0x1000  }
0x62: {  	[sflag:s20] =	ssyncset.done $0x0  }
0x63: {  	[sflag:s20] =	ssyncadd.s32 $0xFFFFF000  }
0x64: {  	v58 =	vld [tilespmem:$0xE000];
	_ =	sdelay $0x4  }
0x65: {  	[tilespmem:$0x17D00] =	vst v58  }
0x66: {  	[tilespmem:s15], [sflag:$0x3] =	stream.indirect.gather [hbm4b:s3+s10], $0x20, s24, s10, $0xb8;
	[tilespmem:$0x18000] =	vst v63  }
0x67: {  	_ =	swait.ge [sflag:s21], $0x1000  }
0x68: {  	[sflag:s21] =	ssyncset.done $0x0  }
0x69: {  	[sflag:s21] =	ssyncadd.s32 $0xFFFFF000  }
0x6a: {  	v59 =	vld [tilespmem:$0xF000];
	_ =	sdelay $0x4  }
0x6b: {  	[tilespmem:$0x17D80] =	vst v59  }
0x6c: {  	[tilespmem:s17], [sflag:$0x4] =	stream.indirect.gather [hbm4b:s3+s10], $0x20, s25, s10, $0xb8;
	[tilespmem:$0x18000] =	vst v63  }
0x6d: {  	_ =	swait.ge [sflag:s18], $0x1000  }
0x6e: {  	[sflag:s18] =	ssyncset.done $0x0  }
0x6f: {  	[sflag:s18] =	ssyncadd.s32 $0xFFFFF000  }
0x70: {  	v60 =	vld [tilespmem:$0xC000];
	_ =	sdelay $0x4  }
0x71: {  	[tilespmem:$0x17E00] =	vst v60  }
0x72: {  	[tilespmem:s11], [sflag:$0x1] =	stream.indirect.gather [hbm4b:s3+s10], $0x20, s25, s10, $0xb8;
	[tilespmem:$0x18000] =	vst v63  }
0x73: {  	_ =	swait.ge [sflag:s19], $0x1000  }
0x74: {  	[sflag:s19] =	ssyncset.done $0x0  }
0x75: {  	[sflag:s19] =	ssyncadd.s32 $0xFFFFF000  }
0x76: {  	v61 =	vld [tilespmem:$0xD000];
	_ =	sdelay $0x4  }
0x77: {  	[tilespmem:$0x17E80] =	vst v61  }
0x78: {  	[tilespmem:s13], [sflag:$0x2] =	stream.indirect.gather [hbm4b:s3+s10], $0x20, s25, s10, $0xb8;
	[tilespmem:$0x18000] =	vst v63  }
0x79: {  	_ =	swait.ge [sflag:s20], $0x1000  }
0x7a: {  	[sflag:s20] =	ssyncset.done $0x0  }
0x7b: {  	[sflag:s20] =	ssyncadd.s32 $0xFFFFF000  }
0x7c: {  	v62 =	vld [tilespmem:$0xE000];
	_ =	sdelay $0x4  }
0x7d: {  	[tilespmem:$0x17F00] =	vst v62  }
0x7e: {  	[tilespmem:s15], [sflag:$0x3] =	stream.indirect.gather [hbm4b:s3+s10], $0x20, s25, s10, $0xb8;
	[tilespmem:$0x18000] =	vst v63  }
0x7f: {  	_ =	swait.ge [sflag:s21], $0x1000  }
0x80: {  	[sflag:s21] =	ssyncset.done $0x0  }
0x81: {  	[sflag:s21] =	ssyncadd.s32 $0xFFFFF000  }
0x82: {  	v63 =	vld [tilespmem:$0xF000];
	_ =	sdelay $0x4  }
0x83: {  	[tilespmem:$0x17F80] =	vst v63  }
0x84: {  	[tilespmem:s17], [sflag:$0x4] =	stream.indirect.gather [hbm4b:s3+s10], $0x20, s25, s10, $0xb8;
	[tilespmem:$0x18000] =	vst v63  }
0x85: {  	_ =	swait.ge [sflag:s18], $0x1000  }
0x86: {  	[sflag:s18] =	ssyncset.done $0x0  }
0x87: {  	[sflag:s18] =	ssyncadd.s32 $0xFFFFF000  }
0x88: {  	_ =	swait.ge [sflag:s19], $0x1000  }
0x89: {  	[sflag:s19] =	ssyncset.done $0x0  }
0x8a: {  	[sflag:s19] =	ssyncadd.s32 $0xFFFFF000  }
0x8b: {  	_ =	swait.ge [sflag:s20], $0x1000  }
0x8c: {  	[sflag:s20] =	ssyncset.done $0x0  }
0x8d: {  	[sflag:s20] =	ssyncadd.s32 $0xFFFFF000  }
0x8e: {  	s28 =	sadd.s32 $0x1, s28;
	_ =	swait.ge [sflag:s21], $0x1000  }
0x8f: {  	p0 =	sne.s32 s28, s7;
	[sflag:s21] =	ssyncset.done $0x0  }
.Ltmp1:
0x90: {  	[sflag:s21] =	ssyncadd.s32 $0xFFFFF000;
	(pc) =	sbr.rel @p0 .LBB2_1-.Ltmp1, $4  }
0x91: {  	[hbm4b:s6+s2] =	stream.linear.scatter [tilespmem:s26], [sflag:$0x5], $0x8000, $0x38;
	[tilespmem:$0x18000] =	vst v63  }
0x92: {  	_ =	swait.ge [sflag:s8], $0x8000  }
0x93: {  	[sflag:s8] =	ssyncset.done $0x0  }
0x94: {  	[sflag:s8] =	ssyncadd.s32 $0xFFFF8000  }
0x95: {  	_ =	sfence.sel $0x180000  }
0x96: {  	[bflag:$0x0] =	sbarrier.arrive $0xFFFF  }
0x97: {  	p0 =	sne.s32 s1, $0x0;
	_ =	strace $0x90000047  }
0x98: {  	s0 =	sadd.s32 @!p0 $0x100000, s0;
	[bflag:$0x2] =	sbarrier.arrive $0xFFFF  }
0x99: {  	[sflag:s0] =	ssyncadd.tile.s32 @!p0 $0x1;
	_ =	shalt  }
.Lfunc_end2:
_tile_overlayer_lowered:
.L_overlay_start_2:
0x9a: {  	(tag) =	ssettag $0x2  }
0x9b: {  	s0 =	rddreg [dreg:$0x0];
	s2 =	stileid.u32  }
0x9c: {  	s1 =	rddreg [dreg:$0x1];
	p0 =	sne.s32 s2, $0x0  }
0x9d: {  	s3 =	rddreg [dreg:$0x2];
	[bflag:$0x3] =	sbarrier.arrive $0xFFFF;
	s2 =	simm.s32 @!p0 $0x1C05  }
0x9e: {  	[timem:s3], [sflag:s2] =	dma.local @!p0 [hbm:s0], s1  }
0x9f: {  	s0 =	simm.s32 @!p0 $0x5  }
0xa0: {  	_ =	swait.ge @!p0 [sflag:s0], s1  }
0xa1: {  	s1 =	ssub.s32 @!p0 $0x0, s1;
	[sflag:s0] =	ssyncset.done @!p0 $0x0  }
0xa2: {  	[sflag:s0] =	ssyncadd.s32 @!p0 s1  }
0xa3: {  	[bflag:$0x3] =	sbarrier.arrive $0xFFFF  }
0xa4: {  	_ =	shalt  }

</sc_bundles>
